<compile_context>
chip_gen: v7x
topology: tpu7x:2x2x1
jax: 0.10.2.dev20260603
libtpu: 0.0.44.dev20260713+nightly
codegen_flags: <defaults>
</compile_context>

<pallas_src>
import functools

import jax
import jax.numpy as jnp
from jax import lax
from jax.experimental import pallas as pl
from jax.experimental.pallas import tpu as pltpu
from jax.experimental.pallas import tpu_sc as plsc

_B, _N = 1, 6
_HI, _WI = 224, 480
_DOWN = 8
_DH, _DW = _HI // _DOWN, _WI // _DOWN
_D = 112
_S = 1
_C = 64
_K = _D + _S + _C
_XD, _YD = 200, 200

_P = _N * _D * _DH * _DW
_NW = 32
_ROWS = 276
_CHUNK = _ROWS * 128
_ACC_N = 40960
_TILE_SLICE = _ACC_N // 16


def _create_frustum():
    depth_grid = jnp.arange(2.0, 58.0, 0.5, dtype=jnp.float32)
    depth = jnp.broadcast_to(depth_grid[:, None, None], (_D, _DH, _DW))
    xg = jnp.broadcast_to(
        jnp.linspace(0.0, _WI - 1, _DW, dtype=jnp.float32)[None, None, :], (_D, _DH, _DW))
    yg = jnp.broadcast_to(
        jnp.linspace(0.0, _HI - 1, _DH, dtype=jnp.float32)[None, :, None], (_D, _DH, _DW))
    return jnp.stack((xg, yg, depth), -1)


def _geometry(intrinsics, extrinsics):
    rotation = extrinsics[..., :3, :3]
    translation = extrinsics[..., :3, 3]
    frustum = _create_frustum()
    points = frustum[None, None, ..., None]
    points = jnp.concatenate(
        (points[..., :2, :] * points[..., 2:3, :], points[..., 2:3, :]), axis=-2)
    combined = jnp.matmul(rotation, jnp.linalg.inv(intrinsics))
    pts = jnp.matmul(combined.reshape(_B, _N, 1, 1, 1, 3, 3), points).squeeze(-1)
    pts = pts + translation.reshape(_B, _N, 1, 1, 1, 3)
    return pts


def _tc_body(img_ref, gx_ref, gy_ref, gz_ref, pht_ref, pw_ref, wenc_ref,
             benc_ref, wdec_ref, depth_ref, seg_ref, vals_ref, idx_ref):
    img = img_ref[0]
    pht = pht_ref[...]
    pw = pw_ref[...]
    w = wenc_ref[...]
    b = benc_ref[...]
    wd = wdec_ref[...]

    pooled = []
    for c in range(3):
        t = jnp.dot(pht, img[c], preferred_element_type=jnp.float32,
                    precision=lax.Precision.HIGHEST)
        pooled.append(jnp.dot(t, pw, preferred_element_type=jnp.float32,
                              precision=lax.Precision.HIGHEST))

    feat = (w[0][:, None, None] * pooled[0][None]
            + w[1][:, None, None] * pooled[1][None]
            + w[2][:, None, None] * pooled[2][None]
            + b[:, :, None])

    logits = feat[:_D]
    m = jnp.max(logits, axis=0)
    e = jnp.exp(logits - m[None])
    s = jnp.sum(e, axis=0)
    depth = e / s[None]
    depth_ref[0] = depth
    seg_ref[0] = feat[_D:_D + _S]

    cf = feat[_D + _S:]
    proj = jnp.sum(cf * wd[:, 0][:, None, None], axis=0)
    vals = depth * proj[None]

    gx = ((gx_ref[0] - (-50.0)) / 0.5).astype(jnp.int32)
    gy = ((gy_ref[0] - (-50.0)) / 0.5).astype(jnp.int32)
    gz = ((gz_ref[0] - (-10.0)) / 20.0).astype(jnp.int32)
    kept = ((gx >= 0) & (gx < _XD) & (gy >= 0) & (gy < _YD)
            & (gz >= 0) & (gz < 1))
    vals_ref[0] = jnp.where(kept, vals, 0.0)
    idx_ref[0] = (jnp.clip(gx, 0, _XD - 1) * _YD
                  + jnp.clip(gy, 0, _YD - 1))


def _tc_encode(image, gx, gy, gz, pht, pw, wenc, benc, wdec):
    pt_blk = pl.BlockSpec((1, _D, _DH, _DW), lambda n: (n, 0, 0, 0))
    full = lambda shp: pl.BlockSpec(shp, lambda n: tuple(0 for _ in shp))
    return pl.pallas_call(
        _tc_body,
        grid=(_N,),
        in_specs=[
            pl.BlockSpec((1, 3, _HI, _WI), lambda n: (n, 0, 0, 0)),
            pt_blk, pt_blk, pt_blk,
            full((_DH, _HI)), full((_WI, _DW)),
            full((3, _K)), full((_K, 1)), full((_C, 1)),
        ],
        out_specs=[
            pt_blk,
            pl.BlockSpec((1, _S, _DH, _DW), lambda n: (n, 0, 0, 0)),
            pt_blk, pt_blk,
        ],
        out_shape=[
            jax.ShapeDtypeStruct((_N, _D, _DH, _DW), jnp.float32),
            jax.ShapeDtypeStruct((_N, _S, _DH, _DW), jnp.float32),
            jax.ShapeDtypeStruct((_N, _D, _DH, _DW), jnp.float32),
            jax.ShapeDtypeStruct((_N, _D, _DH, _DW), jnp.int32),
        ],
    )(image, gx, gy, gz, pht, pw, wenc, benc, wdec)


def _sc_body(vals_hbm, idx_hbm, zeros_hbm, out_hbm, vals_v, idx_v, acc_sh):
    cid = lax.axis_index("c")
    sid = lax.axis_index("s")
    wid = sid * 2 + cid

    pltpu.sync_copy(vals_hbm.at[wid], vals_v)
    pltpu.sync_copy(idx_hbm.at[wid], idx_v)
    pltpu.sync_copy(zeros_hbm, acc_sh.at[pl.ds(sid * _TILE_SLICE, _TILE_SLICE)])
    plsc.subcore_barrier()

    def step(j, carry):
        pltpu.sync_copy(vals_v.at[j], acc_sh.at[idx_v.at[j]], add=True)
        return carry

    lax.fori_loop(0, _ROWS, step, 0)
    plsc.subcore_barrier()

    sl = pl.ds(sid * _TILE_SLICE, _TILE_SLICE)
    pltpu.sync_copy(acc_sh.at[sl], out_hbm.at[cid, sl])


def _sc_scatter(vals3, idx3, zeros):
    mesh = plsc.VectorSubcoreMesh(core_axis_name="c", subcore_axis_name="s")
    fn = functools.partial(
        pl.kernel,
        mesh=mesh,
        out_type=jax.ShapeDtypeStruct((2, _ACC_N), jnp.float32),
        scratch_types=[
            pltpu.VMEM((_ROWS, 128), jnp.float32),
            pltpu.VMEM((_ROWS, 128), jnp.int32),
            pltpu.VMEM_SHARED((_ACC_N,), jnp.float32),
        ],
    )(_sc_body)
    return fn(vals3, idx3, zeros)


def kernel(image, intrinsics, extrinsics, W_enc, b_enc, W_dec, b_dec):
    geom = _geometry(intrinsics, extrinsics)[0]
    gx = geom[..., 0]
    gy = geom[..., 1]
    gz = geom[..., 2]

    pht = (jnp.repeat(jnp.eye(_DH, dtype=jnp.float32), _DOWN, axis=1) / _DOWN)
    pw = (jnp.repeat(jnp.eye(_DW, dtype=jnp.float32), _DOWN, axis=0) / _DOWN)

    depth, seg, vals, idx = _tc_encode(
        image.reshape(_N, 3, _HI, _WI), gx, gy, gz, pht, pw,
        W_enc, b_enc[:, None], W_dec)

    pad = _NW * _CHUNK - _P
    vals3 = jnp.pad(vals.reshape(-1), (0, pad)).reshape(_NW, _ROWS, 128)
    idx3 = jnp.pad(idx.reshape(-1), (0, pad)).reshape(_NW, _ROWS, 128)
    zeros = jnp.zeros((_TILE_SLICE,), jnp.float32)

    parts = _sc_scatter(vals3, idx3, zeros)
    bev = (parts[0, :_XD * _YD] + parts[1, :_XD * _YD]).reshape(1, 1, _XD, _YD)
    bev_output = bev + b_dec[None, :, None, None]
    return (bev_output, seg, depth)

# --- scband reference (transcript-rebuilt; emitter-appended) ---
"""Pipeline reference for scband-sucam-78486232367649 (READ-ONLY COPY).

The authoritative reference and input builder live on the scoring server;
editing this copy changes nothing except your own understanding.
"""

import jax, jax.numpy as jnp
import numpy as np

B, N = 1, 6
H_IMG, W_IMG = 224, 480
DOWN = 8
DH, DW = H_IMG // DOWN, W_IMG // DOWN
D = 112  # len(arange(2.0, 58.0, 0.5))
C = 64
S = 1
BEV_RES = jnp.array([0.5, 0.5, 20.0], dtype=jnp.float32)
BEV_START = jnp.array([-49.75, -49.75, 0.0], dtype=jnp.float32)
X_DIM, Y_DIM, Z_DIM = 200, 200, 1


def create_frustum():
    depth_grid = jnp.arange(2.0, 58.0, 0.5, dtype=jnp.float32)
    depth = jnp.broadcast_to(depth_grid[:, None, None], (D, DH, DW))
    xg = jnp.broadcast_to(jnp.linspace(0.0, W_IMG - 1, DW, dtype=jnp.float32)[None, None, :], (D, DH, DW))
    yg = jnp.broadcast_to(jnp.linspace(0.0, H_IMG - 1, DH, dtype=jnp.float32)[None, :, None], (D, DH, DW))
    return jnp.stack((xg, yg, depth), -1)  # (D, DH, DW, 3)


def setup_inputs(seed: int = 0) -> dict:
    key = jax.random.key(seed)
    k1, k2, k3, k4 = jax.random.split(key, 4)
    image = jax.random.normal(k1, (B, N, 3, H_IMG, W_IMG), dtype=jnp.float32)
    # realistic pinhole intrinsics
    K = jnp.array([[500.0, 0.0, 240.0], [0.0, 500.0, 112.0], [0.0, 0.0, 1.0]], dtype=jnp.float32)
    intrinsics = jnp.broadcast_to(K, (B, N, 3, 3))
    # extrinsics: cam->world rotation (cam z forward -> world x) composed with per-camera yaw
    base = jnp.array([[0.0, 0.0, 1.0], [-1.0, 0.0, 0.0], [0.0, -1.0, 0.0]], dtype=jnp.float32)
    yaws = jnp.linspace(0.0, 2.0 * np.pi, N, endpoint=False)
    cos, sin, z0, o1 = jnp.cos(yaws), jnp.sin(yaws), jnp.zeros(N), jnp.ones(N)
    Ryaw = jnp.stack([jnp.stack([cos, -sin, z0], -1), jnp.stack([sin, cos, z0], -1), jnp.stack([z0, z0, o1], -1)], -2)
    Rcam = jnp.matmul(Ryaw, base)  # (N,3,3)
    t = jax.random.normal(k2, (N, 3), dtype=jnp.float32) * 1.0
    E = jnp.zeros((N, 4, 4), dtype=jnp.float32).at[:, :3, :3].set(Rcam).at[:, :3, 3].set(t).at[:, 3, 3].set(1.0)
    extrinsics = jnp.broadcast_to(E, (B, N, 4, 4))
    W_enc = jax.random.normal(k3, (3, D + S + C), dtype=jnp.float32) * 0.1
    b_enc = jnp.zeros((D + S + C,), dtype=jnp.float32)
    W_dec = jax.random.normal(k4, (C, S), dtype=jnp.float32) * 0.1
    b_dec = jnp.zeros((S,), dtype=jnp.float32)
    return {"image": image, "intrinsics": intrinsics, "extrinsics": extrinsics,
            "W_enc": W_enc, "b_enc": b_enc, "W_dec": W_dec, "b_dec": b_dec}


def _get_geometry(intrinsics, extrinsics):
    rotation = extrinsics[..., :3, :3]
    translation = extrinsics[..., :3, 3]
    frustum = create_frustum()
    points = frustum[None, None, ..., None]  # (1,1,D,DH,DW,3,1)
    points = jnp.concatenate((points[..., :2, :] * points[..., 2:3, :], points[..., 2:3, :]), axis=-2)
    combined = jnp.matmul(rotation, jnp.linalg.inv(intrinsics))  # (B,N,3,3)
    pts = jnp.matmul(combined.reshape(B, N, 1, 1, 1, 3, 3), points).squeeze(-1)
    pts = pts + translation.reshape(B, N, 1, 1, 1, 3)
    return pts  # (B,N,D,DH,DW,3)


def _encoder_forward(image, W_enc, b_enc):
    bn = B * N
    xi = image.reshape(bn, 3, H_IMG, W_IMG)
    pooled = xi.reshape(bn, 3, DH, DOWN, DW, DOWN).mean(axis=(3, 5))  # (bn,3,DH,DW) 8x downsample
    feat = jnp.einsum('bchw,ck->bkhw', pooled, W_enc) + b_enc[None, :, None, None]
    depth = jax.nn.softmax(feat[:, :D], axis=1)              # (bn,D,DH,DW)
    seg = feat[:, D:D + S]                                   # (bn,S,DH,DW)
    cfeat = feat[:, D + S:]                                  # (bn,C,DH,DW)
    vol = depth[:, None, :, :, :] * cfeat[:, :, None, :, :]  # (bn,C,D,DH,DW) lift
    vol = vol.reshape(B, N, C, D, DH, DW).transpose(0, 1, 3, 4, 5, 2)  # (B,N,D,DH,DW,C)
    return vol, seg, depth


def _projection_to_bev(vol, geom):
    Nprime = B * N * D * DH * DW
    xf = vol.reshape(Nprime, C)
    g = ((geom - (BEV_START - BEV_RES / 2.0)) / BEV_RES).astype(jnp.int32).reshape(Nprime, 3)
    batch_ix = jnp.repeat(jnp.arange(B, dtype=jnp.int32), Nprime // B)
    kept = (g[:, 0] >= 0) & (g[:, 0] < X_DIM) & (g[:, 1] >= 0) & (g[:, 1] < Y_DIM) & (g[:, 2] >= 0) & (g[:, 2] < Z_DIM)
    xf = jnp.where(kept[:, None], xf, 0.0)
    gx = jnp.clip(g[:, 0], 0, X_DIM - 1)
    gy = jnp.clip(g[:, 1], 0, Y_DIM - 1)
    gz = jnp.clip(g[:, 2], 0, Z_DIM - 1)
    lin = ((batch_ix * Z_DIM + gz) * X_DIM + gx) * Y_DIM + gy
    final = jax.ops.segment_sum(xf, lin, num_segments=B * Z_DIM * X_DIM * Y_DIM)  # bev_pool scatter-add
    final = final.reshape(B, Z_DIM, X_DIM, Y_DIM, C).transpose(0, 4, 1, 2, 3)  # (B,C,Z,X,Y)
    final = final.reshape(B, C * Z_DIM, X_DIM, Y_DIM)  # cat(unbind(dim=2), 1); Z=1
    return final


def reference(image, intrinsics, extrinsics, W_enc, b_enc, W_dec, b_dec):
    geometry = _get_geometry(intrinsics, extrinsics)
    vol, seg, depth = _encoder_forward(image, W_enc, b_enc)
    bev = _projection_to_bev(vol, geometry)
    bev_output = jnp.einsum('bchw,cs->bshw', bev, W_dec) + b_dec[None, :, None, None]
    return (bev_output, seg, depth)

if __name__ == "__main__":
    import jax
    _d = setup_inputs()
    print(jax.jit(kernel)(*tuple(_d.values())))

</pallas_src>

<mosaic_0001>
#map = affine_map<(d0, d1) -> (0, 0, 0)>
#map1 = affine_map<(d0, d1) -> (0)>
#map2 = affine_map<(d0, d1) -> (0, 0)>
module attributes {stable_mosaic.version = 14 : i64} {
  func.func @_sc_body(%arg0: i32, %arg1: i32, %arg2: memref<32x276x128xf32, #tpu.memory_space<hbm>>, %arg3: memref<32x276x128xi32, #tpu.memory_space<hbm>>, %arg4: memref<2560xf32, #tpu.memory_space<hbm>>, %arg5: memref<2x40960xf32, #tpu.memory_space<hbm>>, %arg6: memref<276x128xf32, #tpu.memory_space<vmem>>, %arg7: memref<276x128xi32, #tpu.memory_space<vmem>>, %arg8: memref<40960xf32, #tpu.memory_space<vmem_shared>>) attributes {dimension_semantics = [#tpu.dimension_semantics<core_parallel>, #tpu.dimension_semantics<subcore_parallel>], iteration_bounds = array<i64: 2, 16>, scalar_prefetch = 0 : i64, scratch_operands = 3 : i64, tpu.core_type = #tpu.core_type<sc_vector_subcore>, window_params = [{transform_indices = #map}, {transform_indices = #map}, {transform_indices = #map1}, {transform_indices = #map2}]} {
    %mul3A = arith.constant 2 : i32
    %mul3A_0 = arith.muli %arg1, %mul3A : i32
    %add3A = arith.addi %mul3A_0, %arg0 : i32
    "tpu.region"() ({
      %run_scoped3A = tpu.sem_alloc : memref<!tpu.dma_semaphore, #tpu.memory_space<semaphore_mem>>
      %dma_start3A = arith.constant 0 : i32
      %dma_start3A_11 = arith.constant 0 : i32
      %dma_start3A_12 = tpu.memref_slice %arg2[%add3A, %dma_start3A, %dma_start3A_11] : memref<32x276x128xf32, #tpu.memory_space<hbm>> -> memref<1x276x128xf32, #tpu.memory_space<hbm>>
      %dma_start3A_13 = tpu.memref_squeeze %dma_start3A_12 : memref<1x276x128xf32, #tpu.memory_space<hbm>> -> memref<276x128xf32, #tpu.memory_space<hbm>>
      %dma_start3A_14 = arith.constant 0 : i32
      %dma_start3A_15 = arith.constant 0 : i32
      %dma_start3A_16 = tpu.memref_slice %arg2[%add3A, %dma_start3A_14, %dma_start3A_15] : memref<32x276x128xf32, #tpu.memory_space<hbm>> -> memref<1x276x128xf32, #tpu.memory_space<hbm>>
      %dma_start3A_17 = tpu.memref_squeeze %dma_start3A_16 : memref<1x276x128xf32, #tpu.memory_space<hbm>> -> memref<276x128xf32, #tpu.memory_space<hbm>>
      tpu.enqueue_dma source(%dma_start3A_17 : memref<276x128xf32, #tpu.memory_space<hbm>>) target(%arg6 : memref<276x128xf32, #tpu.memory_space<vmem>>) target_semaphore(%run_scoped3A : memref<!tpu.dma_semaphore, #tpu.memory_space<semaphore_mem>>)
      %dma_wait3A = arith.constant 0 : i32
      %dma_wait3A_18 = arith.constant 0 : i32
      %dma_wait3A_19 = tpu.memref_slice %arg2[%add3A, %dma_wait3A, %dma_wait3A_18] : memref<32x276x128xf32, #tpu.memory_space<hbm>> -> memref<1x276x128xf32, #tpu.memory_space<hbm>>
      %dma_wait3A_20 = tpu.memref_squeeze %dma_wait3A_19 : memref<1x276x128xf32, #tpu.memory_space<hbm>> -> memref<276x128xf32, #tpu.memory_space<hbm>>
      %dma_wait3A_21 = arith.constant 0 : i32
      %dma_wait3A_22 = arith.constant 0 : i32
      %dma_wait3A_23 = tpu.memref_slice %arg2[%add3A, %dma_wait3A_21, %dma_wait3A_22] : memref<32x276x128xf32, #tpu.memory_space<hbm>> -> memref<1x276x128xf32, #tpu.memory_space<hbm>>
      %dma_wait3A_24 = tpu.memref_squeeze %dma_wait3A_23 : memref<1x276x128xf32, #tpu.memory_space<hbm>> -> memref<276x128xf32, #tpu.memory_space<hbm>>
      tpu.wait_dma2 semaphore(%run_scoped3A : memref<!tpu.dma_semaphore, #tpu.memory_space<semaphore_mem>>) src(%dma_wait3A_24 : memref<276x128xf32, #tpu.memory_space<hbm>>) dst(%arg6 : memref<276x128xf32, #tpu.memory_space<vmem>>)
      tpu.yield
    }) : () -> ()
    "tpu.region"() ({
      %run_scoped3A = tpu.sem_alloc : memref<!tpu.dma_semaphore, #tpu.memory_space<semaphore_mem>>
      %dma_start3A = arith.constant 0 : i32
      %dma_start3A_11 = arith.constant 0 : i32
      %dma_start3A_12 = tpu.memref_slice %arg3[%add3A, %dma_start3A, %dma_start3A_11] : memref<32x276x128xi32, #tpu.memory_space<hbm>> -> memref<1x276x128xi32, #tpu.memory_space<hbm>>
      %dma_start3A_13 = tpu.memref_squeeze %dma_start3A_12 : memref<1x276x128xi32, #tpu.memory_space<hbm>> -> memref<276x128xi32, #tpu.memory_space<hbm>>
      %dma_start3A_14 = arith.constant 0 : i32
      %dma_start3A_15 = arith.constant 0 : i32
      %dma_start3A_16 = tpu.memref_slice %arg3[%add3A, %dma_start3A_14, %dma_start3A_15] : memref<32x276x128xi32, #tpu.memory_space<hbm>> -> memref<1x276x128xi32, #tpu.memory_space<hbm>>
      %dma_start3A_17 = tpu.memref_squeeze %dma_start3A_16 : memref<1x276x128xi32, #tpu.memory_space<hbm>> -> memref<276x128xi32, #tpu.memory_space<hbm>>
      tpu.enqueue_dma source(%dma_start3A_17 : memref<276x128xi32, #tpu.memory_space<hbm>>) target(%arg7 : memref<276x128xi32, #tpu.memory_space<vmem>>) target_semaphore(%run_scoped3A : memref<!tpu.dma_semaphore, #tpu.memory_space<semaphore_mem>>)
      %dma_wait3A = arith.constant 0 : i32
      %dma_wait3A_18 = arith.constant 0 : i32
      %dma_wait3A_19 = tpu.memref_slice %arg3[%add3A, %dma_wait3A, %dma_wait3A_18] : memref<32x276x128xi32, #tpu.memory_space<hbm>> -> memref<1x276x128xi32, #tpu.memory_space<hbm>>
      %dma_wait3A_20 = tpu.memref_squeeze %dma_wait3A_19 : memref<1x276x128xi32, #tpu.memory_space<hbm>> -> memref<276x128xi32, #tpu.memory_space<hbm>>
      %dma_wait3A_21 = arith.constant 0 : i32
      %dma_wait3A_22 = arith.constant 0 : i32
      %dma_wait3A_23 = tpu.memref_slice %arg3[%add3A, %dma_wait3A_21, %dma_wait3A_22] : memref<32x276x128xi32, #tpu.memory_space<hbm>> -> memref<1x276x128xi32, #tpu.memory_space<hbm>>
      %dma_wait3A_24 = tpu.memref_squeeze %dma_wait3A_23 : memref<1x276x128xi32, #tpu.memory_space<hbm>> -> memref<276x128xi32, #tpu.memory_space<hbm>>
      tpu.wait_dma2 semaphore(%run_scoped3A : memref<!tpu.dma_semaphore, #tpu.memory_space<semaphore_mem>>) src(%dma_wait3A_24 : memref<276x128xi32, #tpu.memory_space<hbm>>) dst(%arg7 : memref<276x128xi32, #tpu.memory_space<vmem>>)
      tpu.yield
    }) : () -> ()
    %mul3A_1 = arith.constant 2560 : i32
    %mul3A_2 = arith.muli %arg1, %mul3A_1 : i32
    "tpu.region"() ({
      %run_scoped3A = tpu.sem_alloc : memref<!tpu.dma_semaphore, #tpu.memory_space<semaphore_mem>>
      %dma_start3A = tpu.memref_slice %arg8[%mul3A_2] : memref<40960xf32, #tpu.memory_space<vmem_shared>> -> memref<2560xf32, #tpu.memory_space<vmem_shared>>
      tpu.enqueue_dma source(%arg4 : memref<2560xf32, #tpu.memory_space<hbm>>) target(%dma_start3A : memref<2560xf32, #tpu.memory_space<vmem_shared>>) target_semaphore(%run_scoped3A : memref<!tpu.dma_semaphore, #tpu.memory_space<semaphore_mem>>)
      %dma_wait3A = tpu.memref_slice %arg8[%mul3A_2] : memref<40960xf32, #tpu.memory_space<vmem_shared>> -> memref<2560xf32, #tpu.memory_space<vmem_shared>>
      tpu.wait_dma2 semaphore(%run_scoped3A : memref<!tpu.dma_semaphore, #tpu.memory_space<semaphore_mem>>) src(%arg4 : memref<2560xf32, #tpu.memory_space<hbm>>) dst(%dma_wait3A : memref<2560xf32, #tpu.memory_space<vmem_shared>>)
      tpu.yield
    }) : () -> ()
    %barrier3A = arith.constant 0 : index
    tpu.barrier barrier_id(%barrier3A)
    %scan3A = arith.constant 0 : i32
    %scan3A_3 = arith.constant 0 : i32
    %scan3A_4 = arith.constant 276 : i32
    %scan3A_5 = arith.addi %scan3A_3, %scan3A_4 : i32
    %scan3A_6 = arith.constant 1 : i32
    scf.for %scan3A_11 = %scan3A_3 to %scan3A_5 step %scan3A_6  : i32 {
      "tpu.region"() ({
        %run_scoped3A = tpu.sem_alloc : memref<!tpu.dma_semaphore, #tpu.memory_space<semaphore_mem>>
        %dma_start3A = arith.constant 0 : i32
        %dma_start3A_12 = tpu.memref_slice %arg6[%scan3A_11, %dma_start3A] : memref<276x128xf32, #tpu.memory_space<vmem>> -> memref<1x128xf32, #tpu.memory_space<vmem>>
        %dma_start3A_13 = tpu.memref_squeeze %dma_start3A_12 : memref<1x128xf32, #tpu.memory_space<vmem>> -> memref<128xf32, #tpu.memory_space<vmem>>
        %dma_start3A_14 = arith.constant 0 : i32
        %dma_start3A_15 = tpu.memref_slice %arg7[%scan3A_11, %dma_start3A_14] : memref<276x128xi32, #tpu.memory_space<vmem>> -> memref<1x128xi32, #tpu.memory_space<vmem>>
        %dma_start3A_16 = tpu.memref_squeeze %dma_start3A_15 : memref<1x128xi32, #tpu.memory_space<vmem>> -> memref<128xi32, #tpu.memory_space<vmem>>
        %dma_start3A_17 = arith.constant 0 : i32
        %dma_start3A_18 = tpu.memref_slice %arg8[%dma_start3A_17] : memref<40960xf32, #tpu.memory_space<vmem_shared>> -> memref<40960xf32, #tpu.memory_space<vmem_shared>>
        tpu.enqueue_indirect_dma source(%dma_start3A_13 : memref<128xf32, #tpu.memory_space<vmem>>) target(%dma_start3A_18 : memref<40960xf32, #tpu.memory_space<vmem_shared>>) offsets(%dma_start3A_16 : memref<128xi32, #tpu.memory_space<vmem>>) semaphore(%run_scoped3A : memref<!tpu.dma_semaphore, #tpu.memory_space<semaphore_mem>>) {add = true}
        %dma_wait3A = arith.constant 0 : i32
        %dma_wait3A_19 = tpu.memref_slice %arg6[%scan3A_11, %dma_wait3A] : memref<276x128xf32, #tpu.memory_space<vmem>> -> memref<1x128xf32, #tpu.memory_space<vmem>>
        %dma_wait3A_20 = tpu.memref_squeeze %dma_wait3A_19 : memref<1x128xf32, #tpu.memory_space<vmem>> -> memref<128xf32, #tpu.memory_space<vmem>>
        %dma_wait3A_21 = arith.constant 0 : i32
        %dma_wait3A_22 = tpu.memref_slice %arg7[%scan3A_11, %dma_wait3A_21] : memref<276x128xi32, #tpu.memory_space<vmem>> -> memref<1x128xi32, #tpu.memory_space<vmem>>
        %dma_wait3A_23 = tpu.memref_squeeze %dma_wait3A_22 : memref<1x128xi32, #tpu.memory_space<vmem>> -> memref<128xi32, #tpu.memory_space<vmem>>
        %dma_wait3A_24 = arith.constant 0 : i32
        %dma_wait3A_25 = tpu.memref_slice %arg8[%dma_wait3A_24] : memref<40960xf32, #tpu.memory_space<vmem_shared>> -> memref<40960xf32, #tpu.memory_space<vmem_shared>>
        tpu.wait_indirect_dma semaphore(%run_scoped3A : memref<!tpu.dma_semaphore, #tpu.memory_space<semaphore_mem>>) src(%dma_wait3A_20 : memref<128xf32, #tpu.memory_space<vmem>>) dst(%dma_wait3A_25 : memref<40960xf32, #tpu.memory_space<vmem_shared>>)
        tpu.yield
      }) : () -> ()
    }
    %scan3A_7 = arith.constant 276 : i32
    %barrier3A_8 = arith.constant 0 : index
    tpu.barrier barrier_id(%barrier3A_8)
    %mul3A_9 = arith.constant 2560 : i32
    %mul3A_10 = arith.muli %arg1, %mul3A_9 : i32
    "tpu.region"() ({
      %run_scoped3A = tpu.sem_alloc : memref<!tpu.dma_semaphore, #tpu.memory_space<semaphore_mem>>
      %dma_start3A = tpu.memref_slice %arg5[%arg0, %mul3A_10] : memref<2x40960xf32, #tpu.memory_space<hbm>> -> memref<1x2560xf32, #tpu.memory_space<hbm>>
      %dma_start3A_11 = tpu.memref_squeeze %dma_start3A : memref<1x2560xf32, #tpu.memory_space<hbm>> -> memref<2560xf32, #tpu.memory_space<hbm>>
      %dma_start3A_12 = tpu.memref_slice %arg8[%mul3A_10] : memref<40960xf32, #tpu.memory_space<vmem_shared>> -> memref<2560xf32, #tpu.memory_space<vmem_shared>>
      tpu.enqueue_dma source(%dma_start3A_12 : memref<2560xf32, #tpu.memory_space<vmem_shared>>) target(%dma_start3A_11 : memref<2560xf32, #tpu.memory_space<hbm>>) target_semaphore(%run_scoped3A : memref<!tpu.dma_semaphore, #tpu.memory_space<semaphore_mem>>)
      %dma_wait3A = tpu.memref_slice %arg5[%arg0, %mul3A_10] : memref<2x40960xf32, #tpu.memory_space<hbm>> -> memref<1x2560xf32, #tpu.memory_space<hbm>>
      %dma_wait3A_13 = tpu.memref_squeeze %dma_wait3A : memref<1x2560xf32, #tpu.memory_space<hbm>> -> memref<2560xf32, #tpu.memory_space<hbm>>
      %dma_wait3A_14 = tpu.memref_slice %arg8[%mul3A_10] : memref<40960xf32, #tpu.memory_space<vmem_shared>> -> memref<2560xf32, #tpu.memory_space<vmem_shared>>
      tpu.wait_dma2 semaphore(%run_scoped3A : memref<!tpu.dma_semaphore, #tpu.memory_space<semaphore_mem>>) src(%dma_wait3A_14 : memref<2560xf32, #tpu.memory_space<vmem_shared>>) dst(%dma_wait3A_13 : memref<2560xf32, #tpu.memory_space<hbm>>)
      tpu.yield
    }) : () -> ()
    return
  }
}

module attributes {stable_mosaic.version = 14 : i64} {
  func.func @_tc_body(%arg0: i32, %arg1: memref<1x3x224x480xf32, #tpu.memory_space<vmem>>, %arg2: memref<1x112x28x60xf32, #tpu.memory_space<vmem>>, %arg3: memref<1x112x28x60xf32, #tpu.memory_space<vmem>>, %arg4: memref<1x112x28x60xf32, #tpu.memory_space<vmem>>, %arg5: memref<28x224xf32, #tpu.memory_space<vmem>>, %arg6: memref<480x60xf32, #tpu.memory_space<vmem>>, %arg7: memref<3x177xf32, #tpu.memory_space<vmem>>, %arg8: memref<177x1xf32, #tpu.memory_space<vmem>>, %arg9: memref<64x1xf32, #tpu.memory_space<vmem>>, %arg10: memref<1x112x28x60xf32, #tpu.memory_space<vmem>>, %arg11: memref<1x1x28x60xf32, #tpu.memory_space<vmem>>, %arg12: memref<1x112x28x60xf32, #tpu.memory_space<vmem>>, %arg13: memref<1x112x28x60xi32, #tpu.memory_space<vmem>>) attributes {dimension_semantics = [#tpu.dimension_semantics<arbitrary>], iteration_bounds = array<i64: 6>, scalar_prefetch = 0 : i64, scratch_operands = 0 : i64, tpu.core_type = #tpu.core_type<tc>, window_params = [{transform_indices = @transform_0, window_bounds = array<i64: 1, 3, 224, 480>}, {transform_indices = @transform_1, window_bounds = array<i64: 1, 112, 28, 60>}, {transform_indices = @transform_2, window_bounds = array<i64: 1, 112, 28, 60>}, {transform_indices = @transform_3, window_bounds = array<i64: 1, 112, 28, 60>}, {pipeline_mode = #tpu.pipeline_mode<synchronous>, transform_indices = @transform_4, window_bounds = array<i64: 28, 224>}, {pipeline_mode = #tpu.pipeline_mode<synchronous>, transform_indices = @transform_5, window_bounds = array<i64: 480, 60>}, {pipeline_mode = #tpu.pipeline_mode<synchronous>, transform_indices = @transform_6, window_bounds = array<i64: 3, 177>}, {pipeline_mode = #tpu.pipeline_mode<synchronous>, transform_indices = @transform_7, window_bounds = array<i64: 177, 1>}, {pipeline_mode = #tpu.pipeline_mode<synchronous>, transform_indices = @transform_8, window_bounds = array<i64: 64, 1>}, {transform_indices = @transform_9, window_bounds = array<i64: 1, 112, 28, 60>}, {transform_indices = @transform_10, window_bounds = array<i64: 1, 1, 28, 60>}, {transform_indices = @transform_11, window_bounds = array<i64: 1, 112, 28, 60>}, {transform_indices = @transform_12, window_bounds = array<i64: 1, 112, 28, 60>}]} {
    %get3A = arith.constant 0 : index
    %get3A_0 = arith.constant 0 : index
    %get3A_1 = arith.constant 0 : index
    %get3A_2 = arith.constant 0 : index
    %get3A_3 = vector.load %arg1[%get3A, %get3A_0, %get3A_1, %get3A_2] : memref<1x3x224x480xf32, #tpu.memory_space<vmem>>, vector<1x3x224x480xf32>
    %get3A_4 = vector.shape_cast %get3A_3 : vector<1x3x224x480xf32> to vector<3x224x480xf32>
    %get3A_5 = arith.constant 0 : index
    %get3A_6 = arith.constant 0 : index
    %get3A_7 = vector.load %arg5[%get3A_5, %get3A_6] : memref<28x224xf32, #tpu.memory_space<vmem>>, vector<28x224xf32>
    %get3A_8 = arith.constant 0 : index
    %get3A_9 = arith.constant 0 : index
    %get3A_10 = vector.load %arg6[%get3A_8, %get3A_9] : memref<480x60xf32, #tpu.memory_space<vmem>>, vector<480x60xf32>
    %get3A_11 = arith.constant 0 : index
    %get3A_12 = arith.constant 0 : index
    %get3A_13 = vector.load %arg7[%get3A_11, %get3A_12] : memref<3x177xf32, #tpu.memory_space<vmem>>, vector<3x177xf32>
    %get3A_14 = arith.constant 0 : index
    %get3A_15 = arith.constant 0 : index
    %get3A_16 = vector.load %arg8[%get3A_14, %get3A_15] : memref<177x1xf32, #tpu.memory_space<vmem>>, vector<177x1xf32>
    %get3A_17 = arith.constant 0 : index
    %get3A_18 = arith.constant 0 : index
    %get3A_19 = vector.load %arg9[%get3A_17, %get3A_18] : memref<64x1xf32, #tpu.memory_space<vmem>>, vector<64x1xf32>
    %slice3A = vector.extract_strided_slice %get3A_4 {offsets = [0, 0, 0], sizes = [1, 224, 480], strides = [1, 1, 1]} : vector<3x224x480xf32> to vector<1x224x480xf32>
    %squeeze3A = vector.shape_cast %slice3A : vector<1x224x480xf32> to vector<224x480xf32>
    %dot_general3A = arith.constant dense<0.000000e+00> : vector<28x480xf32>
    %dot_general3A_20 = tpu.matmul %get3A_7, %squeeze3A, %dot_general3A {dimension_numbers = #tpu.dot_dimension_numbers<[1], [0], [0], [1], [0, 0, 1, 1], [], []>, precision = #tpu.contract_precision<fp32>, transpose_lhs_hint = false} : vector<28x224xf32>, vector<224x480xf32>, vector<28x480xf32> -> vector<28x480xf32>
    %dot_general3A_21 = arith.constant dense<0.000000e+00> : vector<28x60xf32>
    %dot_general3A_22 = tpu.matmul %dot_general3A_20, %get3A_10, %dot_general3A_21 {dimension_numbers = #tpu.dot_dimension_numbers<[1], [0], [0], [1], [0, 0, 1, 1], [], []>, precision = #tpu.contract_precision<fp32>, transpose_lhs_hint = false} : vector<28x480xf32>, vector<480x60xf32>, vector<28x60xf32> -> vector<28x60xf32>
    %slice3A_23 = vector.extract_strided_slice %get3A_4 {offsets = [1, 0, 0], sizes = [1, 224, 480], strides = [1, 1, 1]} : vector<3x224x480xf32> to vector<1x224x480xf32>
    %squeeze3A_24 = vector.shape_cast %slice3A_23 : vector<1x224x480xf32> to vector<224x480xf32>
    %dot_general3A_25 = arith.constant dense<0.000000e+00> : vector<28x480xf32>
    %dot_general3A_26 = tpu.matmul %get3A_7, %squeeze3A_24, %dot_general3A_25 {dimension_numbers = #tpu.dot_dimension_numbers<[1], [0], [0], [1], [0, 0, 1, 1], [], []>, precision = #tpu.contract_precision<fp32>, transpose_lhs_hint = false} : vector<28x224xf32>, vector<224x480xf32>, vector<28x480xf32> -> vector<28x480xf32>
    %dot_general3A_27 = arith.constant dense<0.000000e+00> : vector<28x60xf32>
    %dot_general3A_28 = tpu.matmul %dot_general3A_26, %get3A_10, %dot_general3A_27 {dimension_numbers = #tpu.dot_dimension_numbers<[1], [0], [0], [1], [0, 0, 1, 1], [], []>, precision = #tpu.contract_precision<fp32>, transpose_lhs_hint = false} : vector<28x480xf32>, vector<480x60xf32>, vector<28x60xf32> -> vector<28x60xf32>
    %slice3A_29 = vector.extract_strided_slice %get3A_4 {offsets = [2, 0, 0], sizes = [1, 224, 480], strides = [1, 1, 1]} : vector<3x224x480xf32> to vector<1x224x480xf32>
    %squeeze3A_30 = vector.shape_cast %slice3A_29 : vector<1x224x480xf32> to vector<224x480xf32>
    %dot_general3A_31 = arith.constant dense<0.000000e+00> : vector<28x480xf32>
    %dot_general3A_32 = tpu.matmul %get3A_7, %squeeze3A_30, %dot_general3A_31 {dimension_numbers = #tpu.dot_dimension_numbers<[1], [0], [0], [1], [0, 0, 1, 1], [], []>, precision = #tpu.contract_precision<fp32>, transpose_lhs_hint = false} : vector<28x224xf32>, vector<224x480xf32>, vector<28x480xf32> -> vector<28x480xf32>
    %dot_general3A_33 = arith.constant dense<0.000000e+00> : vector<28x60xf32>
    %dot_general3A_34 = tpu.matmul %dot_general3A_32, %get3A_10, %dot_general3A_33 {dimension_numbers = #tpu.dot_dimension_numbers<[1], [0], [0], [1], [0, 0, 1, 1], [], []>, precision = #tpu.contract_precision<fp32>, transpose_lhs_hint = false} : vector<28x480xf32>, vector<480x60xf32>, vector<28x60xf32> -> vector<28x60xf32>
    %slice3A_35 = vector.extract_strided_slice %get3A_13 {offsets = [0, 0], sizes = [1, 177], strides = [1, 1]} : vector<3x177xf32> to vector<1x177xf32>
    %squeeze3A_36 = vector.shape_cast %slice3A_35 : vector<1x177xf32> to vector<177xf32>
    %broadcast_in_dim3A = vector.shape_cast %squeeze3A_36 : vector<177xf32> to vector<177x1x1xf32>
    %broadcast_in_dim3A_37 = vector.shape_cast %dot_general3A_22 : vector<28x60xf32> to vector<1x28x60xf32>
    %mul3A = vector.broadcast %broadcast_in_dim3A : vector<177x1x1xf32> to vector<177x28x60xf32>
    %mul3A_38 = vector.broadcast %broadcast_in_dim3A_37 : vector<1x28x60xf32> to vector<177x28x60xf32>
    %mul3A_39 = arith.mulf %mul3A, %mul3A_38 : vector<177x28x60xf32>
    %slice3A_40 = vector.extract_strided_slice %get3A_13 {offsets = [1, 0], sizes = [1, 177], strides = [1, 1]} : vector<3x177xf32> to vector<1x177xf32>
    %squeeze3A_41 = vector.shape_cast %slice3A_40 : vector<1x177xf32> to vector<177xf32>
    %broadcast_in_dim3A_42 = vector.shape_cast %squeeze3A_41 : vector<177xf32> to vector<177x1x1xf32>
    %broadcast_in_dim3A_43 = vector.shape_cast %dot_general3A_28 : vector<28x60xf32> to vector<1x28x60xf32>
    %mul3A_44 = vector.broadcast %broadcast_in_dim3A_42 : vector<177x1x1xf32> to vector<177x28x60xf32>
    %mul3A_45 = vector.broadcast %broadcast_in_dim3A_43 : vector<1x28x60xf32> to vector<177x28x60xf32>
    %mul3A_46 = arith.mulf %mul3A_44, %mul3A_45 : vector<177x28x60xf32>
    %add3A = arith.addf %mul3A_39, %mul3A_46 : vector<177x28x60xf32>
    %slice3A_47 = vector.extract_strided_slice %get3A_13 {offsets = [2, 0], sizes = [1, 177], strides = [1, 1]} : vector<3x177xf32> to vector<1x177xf32>
    %squeeze3A_48 = vector.shape_cast %slice3A_47 : vector<1x177xf32> to vector<177xf32>
    %broadcast_in_dim3A_49 = vector.shape_cast %squeeze3A_48 : vector<177xf32> to vector<177x1x1xf32>
    %broadcast_in_dim3A_50 = vector.shape_cast %dot_general3A_34 : vector<28x60xf32> to vector<1x28x60xf32>
    %mul3A_51 = vector.broadcast %broadcast_in_dim3A_49 : vector<177x1x1xf32> to vector<177x28x60xf32>
    %mul3A_52 = vector.broadcast %broadcast_in_dim3A_50 : vector<1x28x60xf32> to vector<177x28x60xf32>
    %mul3A_53 = arith.mulf %mul3A_51, %mul3A_52 : vector<177x28x60xf32>
    %add3A_54 = arith.addf %add3A, %mul3A_53 : vector<177x28x60xf32>
    %broadcast_in_dim3A_55 = vector.shape_cast %get3A_16 : vector<177x1xf32> to vector<177x1x1xf32>
    %add3A_56 = vector.broadcast %broadcast_in_dim3A_55 : vector<177x1x1xf32> to vector<177x28x60xf32>
    %add3A_57 = arith.addf %add3A_54, %add3A_56 : vector<177x28x60xf32>
    %slice3A_58 = vector.extract_strided_slice %add3A_57 {offsets = [0, 0, 0], sizes = [112, 28, 60], strides = [1, 1, 1]} : vector<177x28x60xf32> to vector<112x28x60xf32>
    %reduce_max3A = arith.constant dense<0xFF800000> : vector<28x60xf32>
    %reduce_max3A_59 = vector.multi_reduction <maximumf>, %slice3A_58, %reduce_max3A [0] : vector<112x28x60xf32> to vector<28x60xf32>
    %broadcast_in_dim3A_60 = vector.shape_cast %reduce_max3A_59 : vector<28x60xf32> to vector<1x28x60xf32>
    %sub3A = vector.broadcast %broadcast_in_dim3A_60 : vector<1x28x60xf32> to vector<112x28x60xf32>
    %sub3A_61 = arith.subf %slice3A_58, %sub3A : vector<112x28x60xf32>
    %exp3A = math.exp %sub3A_61 : vector<112x28x60xf32>
    %reduce_sum3A = arith.constant dense<0.000000e+00> : vector<28x60xf32>
    %reduce_sum3A_62 = vector.multi_reduction <add>, %exp3A, %reduce_sum3A [0] : vector<112x28x60xf32> to vector<28x60xf32>
    %broadcast_in_dim3A_63 = vector.shape_cast %reduce_sum3A_62 : vector<28x60xf32> to vector<1x28x60xf32>
    %div3A = vector.broadcast %broadcast_in_dim3A_63 : vector<1x28x60xf32> to vector<112x28x60xf32>
    %div3A_64 = arith.divf %exp3A, %div3A : vector<112x28x60xf32>
    %swap3A = arith.constant 0 : index
    %swap3A_65 = arith.constant 0 : index
    %swap3A_66 = arith.constant 0 : index
    %swap3A_67 = arith.constant 0 : index
    %swap3A_68 = vector.load %arg10[%swap3A, %swap3A_65, %swap3A_66, %swap3A_67] : memref<1x112x28x60xf32, #tpu.memory_space<vmem>>, vector<1x112x28x60xf32>
    %swap3A_69 = vector.shape_cast %swap3A_68 : vector<1x112x28x60xf32> to vector<112x28x60xf32>
    %swap3A_70 = vector.shape_cast %div3A_64 : vector<112x28x60xf32> to vector<1x112x28x60xf32>
    tpu.vector_store %arg10[%swap3A, %swap3A_65, %swap3A_66, %swap3A_67], %swap3A_70 {strides = array<i32>} : memref<1x112x28x60xf32, #tpu.memory_space<vmem>>, vector<1x112x28x60xf32>,
    %slice3A_71 = vector.extract_strided_slice %add3A_57 {offsets = [112, 0, 0], sizes = [1, 28, 60], strides = [1, 1, 1]} : vector<177x28x60xf32> to vector<1x28x60xf32>
    %swap3A_72 = arith.constant 0 : index
    %swap3A_73 = arith.constant 0 : index
    %swap3A_74 = arith.constant 0 : index
    %swap3A_75 = arith.constant 0 : index
    %swap3A_76 = vector.load %arg11[%swap3A_72, %swap3A_73, %swap3A_74, %swap3A_75] : memref<1x1x28x60xf32, #tpu.memory_space<vmem>>, vector<1x1x28x60xf32>
    %swap3A_77 = vector.shape_cast %swap3A_76 : vector<1x1x28x60xf32> to vector<1x28x60xf32>
    %swap3A_78 = vector.shape_cast %slice3A_71 : vector<1x28x60xf32> to vector<1x1x28x60xf32>
    tpu.vector_store %arg11[%swap3A_72, %swap3A_73, %swap3A_74, %swap3A_75], %swap3A_78 {strides = array<i32>} : memref<1x1x28x60xf32, #tpu.memory_space<vmem>>, vector<1x1x28x60xf32>,
    %slice3A_79 = vector.extract_strided_slice %add3A_57 {offsets = [113, 0, 0], sizes = [64, 28, 60], strides = [1, 1, 1]} : vector<177x28x60xf32> to vector<64x28x60xf32>
    %squeeze3A_80 = vector.shape_cast %get3A_19 : vector<64x1xf32> to vector<64xf32>
    %broadcast_in_dim3A_81 = vector.shape_cast %squeeze3A_80 : vector<64xf32> to vector<64x1x1xf32>
    %mul3A_82 = vector.broadcast %broadcast_in_dim3A_81 : vector<64x1x1xf32> to vector<64x28x60xf32>
    %mul3A_83 = arith.mulf %slice3A_79, %mul3A_82 : vector<64x28x60xf32>
    %reduce_sum3A_84 = arith.constant dense<0.000000e+00> : vector<28x60xf32>
    %reduce_sum3A_85 = vector.multi_reduction <add>, %mul3A_83, %reduce_sum3A_84 [0] : vector<64x28x60xf32> to vector<28x60xf32>
    %broadcast_in_dim3A_86 = vector.shape_cast %reduce_sum3A_85 : vector<28x60xf32> to vector<1x28x60xf32>
    %mul3A_87 = vector.broadcast %broadcast_in_dim3A_86 : vector<1x28x60xf32> to vector<112x28x60xf32>
    %mul3A_88 = arith.mulf %div3A_64, %mul3A_87 : vector<112x28x60xf32>
    %get3A_89 = arith.constant 0 : index
    %get3A_90 = arith.constant 0 : index
    %get3A_91 = arith.constant 0 : index
    %get3A_92 = arith.constant 0 : index
    %get3A_93 = vector.load %arg2[%get3A_89, %get3A_90, %get3A_91, %get3A_92] : memref<1x112x28x60xf32, #tpu.memory_space<vmem>>, vector<1x112x28x60xf32>
    %get3A_94 = vector.shape_cast %get3A_93 : vector<1x112x28x60xf32> to vector<112x28x60xf32>
    %sub3A_95 = arith.constant -5.000000e+01 : f32
    %sub3A_96 = vector.broadcast %sub3A_95 : f32 to vector<112x28x60xf32>
    %sub3A_97 = arith.subf %get3A_94, %sub3A_96 : vector<112x28x60xf32>
    %div3A_98 = arith.constant 5.000000e-01 : f32
    %div3A_99 = vector.broadcast %div3A_98 : f32 to vector<112x28x60xf32>
    %div3A_100 = arith.divf %sub3A_97, %div3A_99 : vector<112x28x60xf32>
    %convert_element_type3A = arith.fptosi %div3A_100 : vector<112x28x60xf32> to vector<112x28x60xi32>
    %get3A_101 = arith.constant 0 : index
    %get3A_102 = arith.constant 0 : index
    %get3A_103 = arith.constant 0 : index
    %get3A_104 = arith.constant 0 : index
    %get3A_105 = vector.load %arg3[%get3A_101, %get3A_102, %get3A_103, %get3A_104] : memref<1x112x28x60xf32, #tpu.memory_space<vmem>>, vector<1x112x28x60xf32>
    %get3A_106 = vector.shape_cast %get3A_105 : vector<1x112x28x60xf32> to vector<112x28x60xf32>
    %sub3A_107 = arith.constant -5.000000e+01 : f32
    %sub3A_108 = vector.broadcast %sub3A_107 : f32 to vector<112x28x60xf32>
    %sub3A_109 = arith.subf %get3A_106, %sub3A_108 : vector<112x28x60xf32>
    %div3A_110 = arith.constant 5.000000e-01 : f32
    %div3A_111 = vector.broadcast %div3A_110 : f32 to vector<112x28x60xf32>
    %div3A_112 = arith.divf %sub3A_109, %div3A_111 : vector<112x28x60xf32>
    %convert_element_type3A_113 = arith.fptosi %div3A_112 : vector<112x28x60xf32> to vector<112x28x60xi32>
    %get3A_114 = arith.constant 0 : index
    %get3A_115 = arith.constant 0 : index
    %get3A_116 = arith.constant 0 : index
    %get3A_117 = arith.constant 0 : index
    %get3A_118 = vector.load %arg4[%get3A_114, %get3A_115, %get3A_116, %get3A_117] : memref<1x112x28x60xf32, #tpu.memory_space<vmem>>, vector<1x112x28x60xf32>
    %get3A_119 = vector.shape_cast %get3A_118 : vector<1x112x28x60xf32> to vector<112x28x60xf32>
    %sub3A_120 = arith.constant -1.000000e+01 : f32
    %sub3A_121 = vector.broadcast %sub3A_120 : f32 to vector<112x28x60xf32>
    %sub3A_122 = arith.subf %get3A_119, %sub3A_121 : vector<112x28x60xf32>
    %div3A_123 = arith.constant 2.000000e+01 : f32
    %div3A_124 = vector.broadcast %div3A_123 : f32 to vector<112x28x60xf32>
    %div3A_125 = arith.divf %sub3A_122, %div3A_124 : vector<112x28x60xf32>
    %convert_element_type3A_126 = arith.fptosi %div3A_125 : vector<112x28x60xf32> to vector<112x28x60xi32>
    %ge3A = arith.constant 0 : i32
    %ge3A_127 = vector.broadcast %ge3A : i32 to vector<112x28x60xi32>
    %ge3A_128 = arith.cmpi sge, %convert_element_type3A, %ge3A_127 : vector<112x28x60xi32>
    %lt3A = arith.constant 200 : i32
    %lt3A_129 = vector.broadcast %lt3A : i32 to vector<112x28x60xi32>
    %lt3A_130 = arith.cmpi slt, %convert_element_type3A, %lt3A_129 : vector<112x28x60xi32>
    %and3A = arith.andi %ge3A_128, %lt3A_130 : vector<112x28x60xi1>
    %ge3A_131 = arith.constant 0 : i32
    %ge3A_132 = vector.broadcast %ge3A_131 : i32 to vector<112x28x60xi32>
    %ge3A_133 = arith.cmpi sge, %convert_element_type3A_113, %ge3A_132 : vector<112x28x60xi32>
    %and3A_134 = arith.andi %and3A, %ge3A_133 : vector<112x28x60xi1>
    %lt3A_135 = arith.constant 200 : i32
    %lt3A_136 = vector.broadcast %lt3A_135 : i32 to vector<112x28x60xi32>
    %lt3A_137 = arith.cmpi slt, %convert_element_type3A_113, %lt3A_136 : vector<112x28x60xi32>
    %and3A_138 = arith.andi %and3A_134, %lt3A_137 : vector<112x28x60xi1>
    %ge3A_139 = arith.constant 0 : i32
    %ge3A_140 = vector.broadcast %ge3A_139 : i32 to vector<112x28x60xi32>
    %ge3A_141 = arith.cmpi sge, %convert_element_type3A_126, %ge3A_140 : vector<112x28x60xi32>
    %and3A_142 = arith.andi %and3A_138, %ge3A_141 : vector<112x28x60xi1>
    %lt3A_143 = arith.constant 1 : i32
    %lt3A_144 = vector.broadcast %lt3A_143 : i32 to vector<112x28x60xi32>
    %lt3A_145 = arith.cmpi slt, %convert_element_type3A_126, %lt3A_144 : vector<112x28x60xi32>
    %and3A_146 = arith.andi %and3A_142, %lt3A_145 : vector<112x28x60xi1>
    %jit3A = arith.constant 0.000000e+00 : f32
    %broadcast_in_dim3A_147 = vector.broadcast %jit3A : f32 to vector<112x28x60xf32>
    %select_n3A = arith.select %and3A_146, %mul3A_88, %broadcast_in_dim3A_147 : vector<112x28x60xi1>, vector<112x28x60xf32>
    %swap3A_148 = arith.constant 0 : index
    %swap3A_149 = arith.constant 0 : index
    %swap3A_150 = arith.constant 0 : index
    %swap3A_151 = arith.constant 0 : index
    %swap3A_152 = vector.load %arg12[%swap3A_148, %swap3A_149, %swap3A_150, %swap3A_151] : memref<1x112x28x60xf32, #tpu.memory_space<vmem>>, vector<1x112x28x60xf32>
    %swap3A_153 = vector.shape_cast %swap3A_152 : vector<1x112x28x60xf32> to vector<112x28x60xf32>
    %swap3A_154 = vector.shape_cast %select_n3A : vector<112x28x60xf32> to vector<1x112x28x60xf32>
    tpu.vector_store %arg12[%swap3A_148, %swap3A_149, %swap3A_150, %swap3A_151], %swap3A_154 {strides = array<i32>} : memref<1x112x28x60xf32, #tpu.memory_space<vmem>>, vector<1x112x28x60xf32>,
    %jit3A_155 = arith.constant 0 : i32
    %jit3A_156 = arith.constant 199 : i32
    %max3A = vector.broadcast %jit3A_155 : i32 to vector<112x28x60xi32>
    %max3A_157 = arith.maxsi %max3A, %convert_element_type3A : vector<112x28x60xi32>
    %min3A = vector.broadcast %jit3A_156 : i32 to vector<112x28x60xi32>
    %min3A_158 = arith.minsi %min3A, %max3A_157 : vector<112x28x60xi32>
    %mul3A_159 = arith.constant 200 : i32
    %mul3A_160 = vector.broadcast %mul3A_159 : i32 to vector<112x28x60xi32>
    %mul3A_161 = arith.muli %min3A_158, %mul3A_160 : vector<112x28x60xi32>
    %jit3A_162 = arith.constant 0 : i32
    %jit3A_163 = arith.constant 199 : i32
    %max3A_164 = vector.broadcast %jit3A_162 : i32 to vector<112x28x60xi32>
    %max3A_165 = arith.maxsi %max3A_164, %convert_element_type3A_113 : vector<112x28x60xi32>
    %min3A_166 = vector.broadcast %jit3A_163 : i32 to vector<112x28x60xi32>
    %min3A_167 = arith.minsi %min3A_166, %max3A_165 : vector<112x28x60xi32>
    %add3A_168 = arith.addi %mul3A_161, %min3A_167 : vector<112x28x60xi32>
    %swap3A_169 = arith.constant 0 : index
    %swap3A_170 = arith.constant 0 : index
    %swap3A_171 = arith.constant 0 : index
    %swap3A_172 = arith.constant 0 : index
    %swap3A_173 = vector.load %arg13[%swap3A_169, %swap3A_170, %swap3A_171, %swap3A_172] : memref<1x112x28x60xi32, #tpu.memory_space<vmem>>, vector<1x112x28x60xi32>
    %swap3A_174 = vector.shape_cast %swap3A_173 : vector<1x112x28x60xi32> to vector<112x28x60xi32>
    %swap3A_175 = vector.shape_cast %add3A_168 : vector<112x28x60xi32> to vector<1x112x28x60xi32>
    tpu.vector_store %arg13[%swap3A_169, %swap3A_170, %swap3A_171, %swap3A_172], %swap3A_175 {strides = array<i32>} : memref<1x112x28x60xi32, #tpu.memory_space<vmem>>, vector<1x112x28x60xi32>,
    return
  }
  func.func @transform_0(%arg0: i32) -> (i32, i32, i32, i32) {
    %c0_i32 = arith.constant 0 : i32
    %c0_i32_0 = arith.constant 0 : i32
    %c0_i32_1 = arith.constant 0 : i32
    %c0_i32_2 = arith.constant 0 : i32
    return %arg0, %c0_i32, %c0_i32_0, %c0_i32_1 : i32, i32, i32, i32
  }
  func.func @transform_1(%arg0: i32) -> (i32, i32, i32, i32) {
    %c0_i32 = arith.constant 0 : i32
    %c0_i32_0 = arith.constant 0 : i32
    %c0_i32_1 = arith.constant 0 : i32
    %c0_i32_2 = arith.constant 0 : i32
    return %arg0, %c0_i32, %c0_i32_0, %c0_i32_1 : i32, i32, i32, i32
  }
  func.func @transform_2(%arg0: i32) -> (i32, i32, i32, i32) {
    %c0_i32 = arith.constant 0 : i32
    %c0_i32_0 = arith.constant 0 : i32
    %c0_i32_1 = arith.constant 0 : i32
    %c0_i32_2 = arith.constant 0 : i32
    return %arg0, %c0_i32, %c0_i32_0, %c0_i32_1 : i32, i32, i32, i32
  }
  func.func @transform_3(%arg0: i32) -> (i32, i32, i32, i32) {
    %c0_i32 = arith.constant 0 : i32
    %c0_i32_0 = arith.constant 0 : i32
    %c0_i32_1 = arith.constant 0 : i32
    %c0_i32_2 = arith.constant 0 : i32
    return %arg0, %c0_i32, %c0_i32_0, %c0_i32_1 : i32, i32, i32, i32
  }
  func.func @transform_4(%arg0: i32) -> (i32, i32) {
    %c0_i32 = arith.constant 0 : i32
    %c0_i32_0 = arith.constant 0 : i32
    %c0_i32_1 = arith.constant 0 : i32
    return %c0_i32, %c0_i32_0 : i32, i32
  }
  func.func @transform_5(%arg0: i32) -> (i32, i32) {
    %c0_i32 = arith.constant 0 : i32
    %c0_i32_0 = arith.constant 0 : i32
    %c0_i32_1 = arith.constant 0 : i32
    return %c0_i32, %c0_i32_0 : i32, i32
  }
  func.func @transform_6(%arg0: i32) -> (i32, i32) {
    %c0_i32 = arith.constant 0 : i32
    %c0_i32_0 = arith.constant 0 : i32
    %c0_i32_1 = arith.constant 0 : i32
    return %c0_i32, %c0_i32_0 : i32, i32
  }
  func.func @transform_7(%arg0: i32) -> (i32, i32) {
    %c0_i32 = arith.constant 0 : i32
    %c0_i32_0 = arith.constant 0 : i32
    %c0_i32_1 = arith.constant 0 : i32
    return %c0_i32, %c0_i32_0 : i32, i32
  }
  func.func @transform_8(%arg0: i32) -> (i32, i32) {
    %c0_i32 = arith.constant 0 : i32
    %c0_i32_0 = arith.constant 0 : i32
    %c0_i32_1 = arith.constant 0 : i32
    return %c0_i32, %c0_i32_0 : i32, i32
  }
  func.func @transform_9(%arg0: i32) -> (i32, i32, i32, i32) {
    %c0_i32 = arith.constant 0 : i32
    %c0_i32_0 = arith.constant 0 : i32
    %c0_i32_1 = arith.constant 0 : i32
    %c0_i32_2 = arith.constant 0 : i32
    return %arg0, %c0_i32, %c0_i32_0, %c0_i32_1 : i32, i32, i32, i32
  }
  func.func @transform_10(%arg0: i32) -> (i32, i32, i32, i32) {
    %c0_i32 = arith.constant 0 : i32
    %c0_i32_0 = arith.constant 0 : i32
    %c0_i32_1 = arith.constant 0 : i32
    %c0_i32_2 = arith.constant 0 : i32
    return %arg0, %c0_i32, %c0_i32_0, %c0_i32_1 : i32, i32, i32, i32
  }
  func.func @transform_11(%arg0: i32) -> (i32, i32, i32, i32) {
    %c0_i32 = arith.constant 0 : i32
    %c0_i32_0 = arith.constant 0 : i32
    %c0_i32_1 = arith.constant 0 : i32
    %c0_i32_2 = arith.constant 0 : i32
    return %arg0, %c0_i32, %c0_i32_0, %c0_i32_1 : i32, i32, i32, i32
  }
  func.func @transform_12(%arg0: i32) -> (i32, i32, i32, i32) {
    %c0_i32 = arith.constant 0 : i32
    %c0_i32_0 = arith.constant 0 : i32
    %c0_i32_1 = arith.constant 0 : i32
    %c0_i32_2 = arith.constant 0 : i32
    return %arg0, %c0_i32, %c0_i32_0, %c0_i32_1 : i32, i32, i32, i32
  }
}

</mosaic_0001>

<sc_bundles>
// kernel: kernel.4.cloned.1.call-start
scs
__scs_entry_jumppad:
0x0: {  	(pc) =	sbr.rel $0x88, $3  }
0x1: {  	(tag) =	ssettag $0x0;
	lr =	simm.s32 $0x1  }
0x2: {  	[smem:$0x3F9A] =	sst lr;
	_ =	strace $0xD0000000  }
0x3: {  	_ = 	snop  }
0x4: {  	_ = 	snop  }
0x5: {  	_ = 	snop  }
0x6: {  	_ = 	snop  }
0x7: {  	_ = 	snop  }
__scs_overlays_trampoline_lowered:
0x8: {  	[smem:$0x3FA9] =	sst s0  }
0x9: {  	[smem:$0x3FAA] =	sst s1  }
0xa: {  	[smem:$0x3FAB] =	sst s2  }
0xb: {  	[smem:$0x3FAC] =	sst s3  }
0xc: {  	[smem:$0x3FAD] =	sst s4  }
0xd: {  	[smem:$0x3FAE] =	sst s5  }
0xe: {  	[smem:$0x3FAF] =	sst s6  }
0xf: {  	[smem:$0x3FB0] =	sst s7  }
0x10: {  	[smem:$0x3FB1] =	sst s8  }
0x11: {  	[smem:$0x3FB2] =	sst s9;
	s0 =	simm.s32 @!p0 $0x0  }
0x12: {  	s1 =	sld [smem:$0x3F98];
	s0 =	simm.s32 @p0 $0x1  }
0x13: {  	[smem:$0x3FB3] =	sst s0;
	s0 =	simm.s32 @!p1 $0x0  }
0x14: {  	s2 =	sld [smem:$0x3F97];
	s0 =	simm.s32 @p1 $0x1  }
0x15: {  	[smem:$0x3FB4] =	sst s0;
	s0 =	simm.s32 @!p2 $0x0  }
0x16: {  	s3 =	sld [smem:$0x3FDB];
	s0 =	simm.s32 @p2 $0x1  }
0x17: {  	s4 =	simm.s32 $0x1BF5;
	[smem:$0x3FB6] =	sst s0  }
0x18: {  	s0 =	sld [smem:$0x3F99];
	_ =	swait.ge [sflag:s4], $0x0  }
0x19: {  	s7 =	sld [smem:$0x3F9A]  }
0x1a: {  	s8 =	sadd.s32 $0xFFFFE003, lr  }
0x1b: {  	s9 =	sadd.s32 $0xFFFFFEF7, lr;
	s5 =	simm.s32 $0xFFFFFFFF;
	p2 =	slt.u32 s8, $0xFFFFF086  }
0x1c: {  	p1 =	slt.u32 s9, $0xF7A;
	s5 =	simm.s32 @!p2 $0x0  }
0x1d: {  	s5 =	simm.s32 @p1 $0x1;
	p0 =	seq.s32 s7, s2  }
0x1e: {  	s7 =	smul.u32 @!p0 $0xF7A, s2;
	p2 =	seq.s32 @!p0 s5, $0x0  }
0x1f: {  	s9 =	smul.u32 $0xF7A, s1;
	s8 =	simm.s32 @!p0 $0x1BF5;
	p2 =	por !p2, p0  }
0x20: {  	[sflag:s8] =	ssyncset.s32 @!p0 $0xFFFFF086;
	s6 =	sadd.s32 @!p0 s3, s7;
	s7 =	simm.s32 @!p0 $0x108  }
0x21: {  	s3 =	sadd.s32 s3, s9;
	s6 =	sadd.s32 @!p0 $0x88, s6;
	s7 =	simm.s32 @p2 $0x1082  }
0x22: {  	[simem:s7], [sflag:s8] =	dma.local @!p0 [hbm:s6], $0xF7A  }
0x23: {  	s9 =	sor.u32 $0xD0000000, s2;
	s6 =	simm.s32 $0x108;
	_ =	swait.ge @!p0 [sflag:s8], $0x0  }
0x24: {  	s3 =	sadd.s32 $0x88, s3;
	s6 =	simm.s32 @!p1 $0x1082;
	[sflag:s4] =	ssyncset.s32 $0xFFFFF086  }
0x25: {  	[simem:s6], [sflag:s4] =	dma.local [hbm:s3], $0xF7A  }
0x26: {  	[smem:$0x3F9A] =	sst s1;
	(tag) =	ssettag s2;
	_ =	strace s9  }
0x27: {  	s1 =	sld [smem:$0x3FAA]  }
0x28: {  	s2 =	sld [smem:$0x3FAB]  }
0x29: {  	s4 =	sld [smem:$0x3FAD]  }
0x2a: {  	p0 =	seq.s32 s5, $0x0;
	s5 =	sld [smem:$0x3FAE]  }
0x2b: {  	s6 =	sld [smem:$0x3FAF]  }
0x2c: {  	s7 =	sld [smem:$0x3FB0]  }
0x2d: {  	s3 =	simm.s32 $0x108;
	s8 =	sld [smem:$0x3FB1]  }
0x2e: {  	s3 =	simm.s32 @!p0 $0x1082;
	s9 =	sld [smem:$0x3FB2]  }
0x2f: {  	lr =	sadd.s32 s0, s3;
	s0 =	sld [smem:$0x3FA9]  }
0x30: {  	s3 =	sld [smem:$0x3FAC]  }
0x31: {  	[smem:$0x3FB5] =	sst s10  }
0x32: {  	s10 =	sld [smem:$0x3FB3];
	_ =	sdelay $0x3  }
0x33: {  	p0 =	seq.s32 s10, $0x1;
	s10 =	sld [smem:$0x3FB5];
	_ =	sdelay $0x3  }
0x34: {  	[smem:$0x3FB5] =	sst s10  }
0x35: {  	s10 =	sld [smem:$0x3FB4];
	_ =	sdelay $0x3  }
0x36: {  	p1 =	seq.s32 s10, $0x1;
	s10 =	sld [smem:$0x3FB5];
	_ =	sdelay $0x3  }
0x37: {  	[smem:$0x3FB5] =	sst s10  }
0x38: {  	s10 =	sld [smem:$0x3FB6]  }
0x39: {  	_ = 	snop;
	(pc) =	sbr.ind lr, $3  }
0x3a: {  	_ = 	snop  }
0x3b: {  	_ = 	snop  }
0x3c: {  	p2 =	seq.s32 s10, $0x1;
	s10 =	sld [smem:$0x3FB5]  }
0x3d: {  	_ =	shalt  }
0x3e: {  	_ =	shalt  }
0x3f: {  	_ =	shalt  }
0x40: {  	_ =	shalt  }
0x41: {  	_ =	shalt  }
0x42: {  	_ =	shalt  }
0x43: {  	_ =	shalt  }
0x44: {  	_ =	shalt  }
0x45: {  	_ =	shalt  }
0x46: {  	_ =	shalt  }
0x47: {  	_ =	shalt  }
0x48: {  	_ =	shalt  }
0x49: {  	_ =	shalt  }
0x4a: {  	_ =	shalt  }
0x4b: {  	_ =	shalt  }
0x4c: {  	_ =	shalt  }
0x4d: {  	_ =	shalt  }
0x4e: {  	_ =	shalt  }
0x4f: {  	_ =	shalt  }
0x50: {  	_ =	shalt  }
0x51: {  	_ =	shalt  }
0x52: {  	_ =	shalt  }
0x53: {  	_ =	shalt  }
0x54: {  	_ =	shalt  }
0x55: {  	_ =	shalt  }
0x56: {  	_ =	shalt  }
0x57: {  	_ =	shalt  }
0x58: {  	_ =	shalt  }
0x59: {  	_ =	shalt  }
0x5a: {  	_ =	shalt  }
0x5b: {  	_ =	shalt  }
0x5c: {  	_ =	shalt  }
0x5d: {  	_ =	shalt  }
0x5e: {  	_ =	shalt  }
0x5f: {  	_ =	shalt  }
0x60: {  	_ =	shalt  }
0x61: {  	_ =	shalt  }
0x62: {  	_ =	shalt  }
0x63: {  	_ =	shalt  }
0x64: {  	_ =	shalt  }
0x65: {  	_ =	shalt  }
0x66: {  	_ =	shalt  }
0x67: {  	_ =	shalt  }
0x68: {  	_ =	shalt  }
0x69: {  	_ =	shalt  }
0x6a: {  	_ =	shalt  }
0x6b: {  	_ =	shalt  }
0x6c: {  	_ =	shalt  }
0x6d: {  	_ =	shalt  }
0x6e: {  	_ =	shalt  }
0x6f: {  	_ =	shalt  }
0x70: {  	_ =	shalt  }
0x71: {  	_ =	shalt  }
0x72: {  	_ =	shalt  }
0x73: {  	_ =	shalt  }
0x74: {  	_ =	shalt  }
0x75: {  	_ =	shalt  }
0x76: {  	_ =	shalt  }
0x77: {  	_ =	shalt  }
0x78: {  	_ =	shalt  }
0x79: {  	_ =	shalt  }
0x7a: {  	_ =	shalt  }
0x7b: {  	_ =	shalt  }
0x7c: {  	_ =	shalt  }
0x7d: {  	_ =	shalt  }
0x7e: {  	_ =	shalt  }
0x7f: {  	_ =	shalt  }
0x80: {  	_ =	shalt  }
0x81: {  	_ =	shalt  }
0x82: {  	_ =	shalt  }
0x83: {  	_ =	shalt  }
0x84: {  	_ =	shalt  }
0x85: {  	_ =	shalt  }
0x86: {  	_ =	shalt  }
0x87: {  	_ =	shalt  }
.Lfunc_end0:
.L_simem_size_0:
called_computation_lowered:
.L_overlay_start_0:
0x88: {  	s2 =	sld [smem:$0x3FD9]  }
0x89: {  	s3 =	sld [smem:$0x3FFE];
	_ =	sdelay $0x1  }
0x8a: {  	s1 =	srdreg.scid  }
0x8b: {  	s0 =	sand.u32 $0x1, s1  }
0x8c: {  	s14 =	sshll.u32 s0, $0xA;
	s2 =	sadd.s32 s3, s2  }
0x8d: {  	s2 =	sadd.s32 s2, s14  }
0x8e: {  	[smem:$0x3FC1] =	sst s2  }
0x8f: {  	_ = 	snop  }
0x90: {  	s2 =	sld [smem:$0x3FD0];
	_ =	sdelay $0x2  }
0x91: {  	s15 =	simm.s32 $0xA;
	s4 =	simm.s32 $0x10  }
0x92: {  	[smem:s4], [sflag:s15] =	dma.local [hbm:s2], $0x1  }
0x93: {  	_ =	swait.eq [sflag:s15], $0x1  }
0x94: {  	[sflag:s15] =	ssyncset.done $0x0  }
0x95: {  	[sflag:s15] =	ssyncadd.s32 $0xFFFFFFFF  }
0x96: {  	s16 =	sld [smem:$0x10];
	(tm) =	ssettm $0x1  }
0x97: {  	s17 =	sld [smem:$0x3FFB];
	_ =	sdelay $0x3  }
0x98: {  	_ =	strace s17  }
0x99: {  	s3 =	sld [smem:$0x3FFC];
	_ =	sdelay $0x3  }
0x9a: {  	_ =	strace s3  }
0x9b: {  	s3 =	sld [smem:$0x3FFD];
	_ =	sdelay $0x3  }
0x9c: {  	_ =	strace s3  }
0x9d: {  	_ =	strace $0x8FFFFFFF  }
0x9e: {  	s18 =	sld [smem:$0x3FDB];
	_ =	sdelay $0x1  }
0x9f: {  	s19 =	simm.s32 $_scs_section_size  }
0xa0: {  	s5 =	simm.s32 $_size__tile_overlayer_lowered;
	s6 =	simm.s32 $_tile_overlayer_lowered  }
0xa1: {  	s22 =	simm.s32 $0x1BFF;
	s21 =	sshll.u32 s6, $0x1;
	s3 =	sadd.s32 s19, s18  }
0xa2: {  	s7 =	simm.s32 $0x0;
	s20 =	sshll.u32 s5, $0x1;
	s5 =	sadd.s32 s21, s3  }
0xa3: {  	[timem:s7], [sflag:s22] =	dma.local [hbm:s5], s20  }
0xa4: {  	_ =	swait.ge [sflag:s22], s20  }
0xa5: {  	s4 =	ssub.s32 $0x0, s20;
	[sflag:s22] =	ssyncset.done $0x0  }
0xa6: {  	[sflag:s22] =	ssyncadd.s32 s4;
	_ =	sdelay $0x1  }
0xa7: {  	s23 =	simm.s32 $0x1B8B  }
0xa8: {  	_ =	swait.ge [sflag:s23], $0x1  }
0xa9: {  	[sflag:s23] =	ssyncset.done $0x0  }
0xaa: {  	s25 =	simm.s32 $0x1B8E;
	s24 =	sld [smem:$0x3FFE];
	[sflag:s23] =	ssyncadd.s32 $0xFFFFFFFF  }
0xab: {  	s26 =	simm.s32 $execute0_lowered;
	[smem:$0x3FD2] =	sst s25  }
0xac: {  	s5 =	sshll.u32 s26, $0x1;
	_ =	strace $0x80000046;
	[dreg:$0x1] =	wrdreg $0xFFFFFFFF  }
0xad: {  	s28 =	simm.s32 $_size_execute0_lowered;
	s3 =	sadd.s32 s3, s5;
	[dreg:$0x0] =	wrdreg $0x0  }
0xae: {  	s5 =	sshll.u32 s28, $0x1;
	[dreg:$0x2] =	wrdreg s3  }
0xaf: {  	[dreg:$0x3] =	wrdreg s5  }
0xb0: {  	[dreg:$0x4] =	wrdreg $0xC0  }
0xb1: {  	_ =	task [dreg:s7], $0x5FFFF  }
0xb2: {  	[dreg:$0x1] =	wrdreg $0xFFFFFFFF  }
0xb3: {  	[dreg:$0x0] =	wrdreg $0x60  }
0xb4: {  	[dreg:$0x2] =	wrdreg s24  }
0xb5: {  	[dreg:$0x3] =	wrdreg s16  }
0xb6: {  	[dreg:$0x4] =	wrdreg $0x118000  }
0xb7: {  	[dreg:$0x5] =	wrdreg $0x9  }
0xb8: {  	_ =	task.clear_ibuf [dreg:s7], $0x6FFFF;
	_ =	strace $0x90000046  }
0xb9: {  	s29 =	simm.s32 $0x9;
	_ =	strace $0x80000048  }
0xba: {  	_ =	swait.ge [sflag:s29], $0x1  }
0xbb: {  	[sflag:s29] =	ssyncadd.s32 $0xFFFFFFFF  }
0xbc: {  	_ =	strace $0x90000048  }
0xbd: {  	_ =	sfence  }
0xbe: {  	s30 =	sld [smem:$0x0];
	_ =	sdelay $0x2  }
0xbf: {  	s31 =	sshll.u32 s1, $0xD;
	s1 =	sshrl.u32 s1, $0x2  }
0xc0: {  	s3 =	sand.u32 $0x4000, s31;
	s1 =	sadd.s32 s1, s30  }
0xc1: {  	s0 =	sor.u32 s3, s0;
	s1 =	sshll.u32 s1, $0x11  }
0xc2: {  	s0 =	sor.u32 s1, s0  }
0xc3: {  	s0 =	sadd.s32 $0x8F2B, s0  }
0xc4: {  	[sflag:s0] =	ssyncadd.remote.s32 $0x1  }
0xc5: {  	_ =	sfence.sel $0xFFFF  }
0xc6: {  	[dreg:$0x0] =	wrdreg $0xFFFFFFFF;
	(pc) =	sbr.abs _section_cstart, $3  }
0xc7: {  	[dreg:$0x1] =	wrdreg $0xFFFFFFFF  }
0xc8: {  	_ =	task.clear_ibuf [dreg:s7], $0x2FFFF;
	_ =	strace $0x9FFFFFFF  }
0xc9: {  	(tm) =	ssettm $0x7FFFFFFF  }
tec
execute0_lowered:
.L_overlay_start_1:
0x0: {  	(tag) =	ssettag $0x1  }
0x1: {  	s5 =	rddreg [dreg:$0x0]  }
0x2: {  	s1 =	rddreg [dreg:$0x1]  }
0x3: {  	s2 =	rddreg [dreg:$0x2]  }
0x4: {  	s0 =	rddreg [dreg:$0x3];
	s4 =	simm.s32 $0x0  }
0x5: {  	s6 =	srdreg.scid;
	s3 =	stileid.u32;
	s13 =	simm.s32 $0x80  }
0x6: {  	s14 =	simm.s32 $0x20;
	s15 =	simm.s32 $0x10;
	s16 =	simm.s32 $0x0  }
0x7: {  	[smem:$0x7FF] =	sst s4;
	s6 =	sand.u32 $0x1, s6;
	s8 =	smul.u32 $0x1400, s3  }
0x8: {  	s7 =	sshll.u32 s3, $0x1;
	s10 =	smul.u32 $0x2800, s3;
	s11 =	sshll.u32 s3, $0x6  }
0x9: {  	_ =	strace $0x80000047;
	s7 =	sor.u32 s6, s7;
	s9 =	sshll.u32 s6, $0x7  }
0xa: {  	s6 =	ssub.s32 $0x2, s6;
	s11 =	sor.u32 $0x1C01, s11;
	s7 =	smul.u32 $0x1180, s7  }
0xb: {  	s8 =	sor.u32 s9, s8;
	s30 =	sshrl.u32 s6, $0x1;
	s31 =	sshrl.u32 s10, $0x2  }
0xc: {  	s10 =	simm.s32 $0x8C00;
	s8 =	sshrl.u32 s8, $0x3;
	s9 =	ssub.s32 s6, s30  }
0xd: {  	s12 =	sadd.s32 s31, s2;
	s7 =	sadd.s32 s7, s5;
	s8 =	sadd.s32 s8, s5  }
0xe: {  	s12 =	sshrl.u32 s12, $0x3;
	s5 =	sadd.s32 $0x2400, s7;
	s6 =	sadd.s32 $0x25400, s7  }
0xf: {  	s7 =	sadd.s32 $0x48400, s8;
	s8 =	smax.u32 s9, $0x1;
	s9 =	simm.s32 $0x1  }
.LBB2_1:
0x10: {  	[tilespmem:s4], [sflag:$0x1] =	stream.linear.gather [hbm4b:s5+s4], $0x8A00, $0x38;
	[tilespmem:$0x12200] =	vst v63  }
0x11: {  	_ =	swait.ge [sflag:s9], $0x8A00  }
0x12: {  	[sflag:s9] =	ssyncset.done $0x0  }
0x13: {  	[sflag:s9] =	ssyncadd.s32 $0xFFFF7600  }
0x14: {  	[tilespmem:s10], [sflag:$0x1] =	stream.linear.gather [hbm4b:s6+s4], $0x8A00, $0x38;
	[tilespmem:$0x12200] =	vst v63  }
0x15: {  	_ =	swait.ge [sflag:s9], $0x8A00  }
0x16: {  	[sflag:s9] =	ssyncset.done $0x0  }
0x17: {  	[sflag:s9] =	ssyncadd.s32 $0xFFFF7600  }
0x18: {  	[spmem:s12], [sflag:s11] =	dma.local [hbm:s1], $0x140  }
0x19: {  	_ =	swait.ge [sflag:s9], $0x140  }
0x1a: {  	[sflag:s9] =	ssyncset.done $0x0  }
0x1b: {  	[sflag:s9] =	ssyncadd.s32 $0xFFFFFEC0  }
0x1c: {  	s17 =	simm.s32 $0x0;
	s18 =	simm.s32 $0x8C00;
	[bflag:$0x0] =	sbarrier.arrive $0xFFFF  }
0x1d: {  	[spmem:s2] =	stream.indirect.scatter.add.f32 [tilespmem:s17], [sflag:$0x1], $0x1, s18, s13, $0xb8;
	[tilespmem:$0x12200] =	vst v63  }
0x1e: {  	s17 =	simm.s32 $0x200;
	_ =	swait.ge [sflag:s9], $0x80  }
.LBB2_2:
0x1f: {  	s18 =	sshra.s32 s17, $0x2;
	[sflag:s9] =	ssyncset.done $0x0;
	p0 =	sne.s32 s17, $0x22600  }
.Ltmp0:
0x20: {  	s19 =	sadd.s32 $0x8C00, s18;
	[sflag:s9] =	ssyncadd.s32 $0xFFFFFF80;
	(pc) =	sbr.rel @p0 .LBB2_2-.Ltmp0, $3  }
0x21: {  	[spmem:s2] =	stream.indirect.scatter.add.f32 [tilespmem:s18], [sflag:$0x1], $0x1, s19, s13, $0xb8;
	[tilespmem:$0x12200] =	vst v63  }
0x22: {  	s17 =	sadd.s32 $0x200, s17;
	_ =	sdelay $0x1  }
0x23: {  	_ =	swait.ge [sflag:s9], $0x80  }
0x24: {  	[sflag:s9] =	ssyncset.done $0x0;
	s16 =	sadd.s32 $0x1, s16  }
0x25: {  	[sflag:s9] =	ssyncadd.s32 $0xFFFFFF80;
	p0 =	sne.s32 s16, s8  }
.Ltmp1:
0x26: {  	[bflag:$0x0] =	sbarrier.arrive $0xFFFF;
	(pc) =	sbr.rel @p0 .LBB2_1-.Ltmp1, $4  }
0x27: {  	[hbm:s7@s14], [sflag:s11] =	dma.strided [spmem:s12@s15], $0x140, s9, $0x10   }
0x28: {  	_ =	swait.ge [sflag:s9], $0x140  }
0x29: {  	[sflag:s9] =	ssyncset.done $0x0  }
0x2a: {  	[sflag:s9] =	ssyncadd.s32 $0xFFFFFEC0  }
0x2b: {  	_ =	sfence.sel $0x180000  }
0x2c: {  	[bflag:$0x0] =	sbarrier.arrive $0xFFFF  }
0x2d: {  	p0 =	sne.s32 s3, $0x0;
	_ =	strace $0x90000047  }
0x2e: {  	s0 =	sadd.s32 @!p0 $0x100000, s0;
	[bflag:$0x2] =	sbarrier.arrive $0xFFFF  }
0x2f: {  	[sflag:s0] =	ssyncadd.tile.s32 @!p0 $0x1;
	_ =	shalt  }
.Lfunc_end2:
_tile_overlayer_lowered:
.L_overlay_start_2:
0x30: {  	(tag) =	ssettag $0x2  }
0x31: {  	s0 =	rddreg [dreg:$0x0];
	s2 =	stileid.u32  }
0x32: {  	s1 =	rddreg [dreg:$0x1];
	p0 =	sne.s32 s2, $0x0  }
0x33: {  	s3 =	rddreg [dreg:$0x2];
	[bflag:$0x3] =	sbarrier.arrive $0xFFFF;
	s2 =	simm.s32 @!p0 $0x1C01  }
0x34: {  	[timem:s3], [sflag:s2] =	dma.local @!p0 [hbm:s0], s1  }
0x35: {  	s0 =	simm.s32 @!p0 $0x1  }
0x36: {  	_ =	swait.ge @!p0 [sflag:s0], s1  }
0x37: {  	s1 =	ssub.s32 @!p0 $0x0, s1;
	[sflag:s0] =	ssyncset.done @!p0 $0x0  }
0x38: {  	[sflag:s0] =	ssyncadd.s32 @!p0 s1  }
0x39: {  	[bflag:$0x3] =	sbarrier.arrive $0xFFFF  }
0x3a: {  	_ =	shalt  }

</sc_bundles>
